<compile_context>
chip_gen: v7x
topology: tpu7x:2x2x1
jax: 0.10.2.dev20260603
libtpu: 0.0.44.dev20260713+nightly
codegen_flags: <defaults>
</compile_context>

<pallas_src>
import functools

import jax
import jax.numpy as jnp
from jax import lax
from jax.experimental import pallas as pl
from jax.experimental.pallas import tpu as pltpu
from jax.experimental.pallas import tpu_sc as plsc

NC = 2
NS = 16
NW = NC * NS
L = 16
M = 65536
D = 128
RPW = M // NW
IMAX = 2147483647

BLK = 8192
NBLK = M // BLK
UCB = 32768
NUCB = M // UCB

_mesh = plsc.VectorSubcoreMesh(core_axis_name="c", subcore_axis_name="s")
_params = pltpu.CompilerParams(needs_layout_passes=False,
                               skip_device_barrier=True)


def _uccopy_body(uc_hbm, ucout_hbm, ucb, semu):
    cid = lax.axis_index("c")
    sid = lax.axis_index("s")
    wid = sid * NC + cid
    wbase = wid * RPW
    pltpu.async_copy(uc_hbm.at[pl.ds(wbase, RPW)], ucb, semu).wait()
    pltpu.sync_copy(ucb, ucout_hbm.at[pl.ds(wbase, RPW)])


_uccopy = functools.partial(
    pl.kernel,
    out_type=jax.ShapeDtypeStruct((M,), jnp.int32),
    mesh=_mesh,
    compiler_params=_params,
    scratch_types=[
        pltpu.VMEM((RPW,), jnp.int32),
        pltpu.SemaphoreType.DMA,
    ],
)(_uccopy_body)


def _mv_body(q_ref, k_ref, s_ref):
    s_ref[...] = jax.lax.dot_general(
        q_ref[...], k_ref[...],
        dimension_numbers=(((1,), (1,)), ((), ())),
        preferred_element_type=jnp.float32)


_mv = pl.pallas_call(
    _mv_body,
    grid=(NBLK,),
    in_specs=[
        pl.BlockSpec((1, D), lambda b: (0, 0)),
        pl.BlockSpec((BLK, D), lambda b: (b, 0)),
    ],
    out_specs=pl.BlockSpec((1, BLK), lambda b: (0, b)),
    out_shape=jax.ShapeDtypeStruct((1, M), jnp.float32),
)


def _amax_body(s_ref, a_ref, p_ref, bm_ref, bi_ref):
    s = jnp.where(a_ref[...], s_ref[...], -jnp.inf)
    m = jnp.max(s)
    io = lax.broadcasted_iota(jnp.int32, (1, M), 1)
    idx = jnp.min(jnp.where(s == m, io, IMAX))
    hit = (m > 0.95).astype(jnp.int32)
    npc = jnp.where(m > 0.95, idx, p_ref[0, 0])
    io1 = lax.broadcasted_iota(jnp.int32, (1, D), 1)
    bm_ref[...] = jnp.broadcast_to(m, (1, D))
    bi_ref[...] = jnp.where(
        io1 == 0, idx, jnp.where(io1 == 1, hit, jnp.where(io1 == 2, npc, 0)))


_amax = pl.pallas_call(
    _amax_body,
    out_shape=[
        jax.ShapeDtypeStruct((1, D), jnp.float32),
        jax.ShapeDtypeStruct((1, D), jnp.int32),
    ],
)


def _touch_body(s_ref, uc_ref, av_ref, ucout_ref, act_ref):
    idx = s_ref[0]
    hit = s_ref[1]
    b = pl.program_id(0)
    io = lax.broadcasted_iota(jnp.int32, (1, 1, UCB), 2) + b * UCB
    ucout_ref[...] = uc_ref[...] + (
        (io == idx) & (hit > 0)).astype(jnp.int32)
    io0 = lax.broadcasted_iota(jnp.int32, (8, D), 0)
    act_ref[...] = jnp.sum(
        jnp.where(io0 == idx % 8, av_ref[...], 0.0), axis=0, keepdims=True)


_touch = pl.pallas_call(
    _touch_body,
    grid_spec=pltpu.PrefetchScalarGridSpec(
        num_scalar_prefetch=1,
        grid=(NUCB,),
        in_specs=[
            pl.BlockSpec((1, 1, UCB), lambda b, s: (b, 0, 0)),
            pl.BlockSpec((8, D), lambda b, s: (s[0] // 8, 0)),
        ],
        out_specs=[
            pl.BlockSpec((1, 1, UCB), lambda b, s: (b, 0, 0)),
            pl.BlockSpec((1, D), lambda b, s: (0, 0)),
        ],
    ),
    out_shape=[
        jax.ShapeDtypeStruct((NUCB, 1, UCB), jnp.int32),
        jax.ShapeDtypeStruct((1, D), jnp.float32),
    ],
)


def kernel(sensor_spikes, sensor_keys, action_values, is_active,
           usage_counts, program_counter):
    pc11 = program_counter.reshape(1, 1).astype(jnp.int32)

    uc0 = _uccopy(usage_counts)
    sim = _mv(sensor_spikes, sensor_keys)
    bm, bi = _amax(sim, is_active.reshape(1, M), pc11)

    sarg = bi[0, 0:2]
    ucn3, act = _touch(sarg, uc0.reshape(NUCB, 1, UCB), action_values)

    action = act.reshape(1, D)
    confidence = bm[0, 0:1]
    best_idx = bi[0, 0:1]
    new_pc = bi[0, 2]
    return action, confidence, best_idx, ucn3.reshape(M), new_pc

# --- scband reference (transcript-rebuilt; emitter-appended) ---
"""Pipeline reference for scband-theo-scam-45930380264377 (READ-ONLY COPY).

The authoritative reference and input builder live on the scoring server;
editing this copy changes nothing except your own understanding.
"""

import jax, jax.numpy as jnp
import numpy as np

SPIKE_DIM = 128
MAX_ENGRAMS = 65536


def setup_inputs(seed: int = 0) -> dict:
    key = jax.random.key(seed)
    k1, k2, k3 = jax.random.split(key, 3)
    sensor_spikes = jax.random.normal(k1, (1, SPIKE_DIM), dtype=jnp.float32)
    # crystallize_skill stores sign-quantized patterns; mimic a fully-populated 64K RAM
    sensor_keys = jnp.sign(jax.random.normal(k2, (MAX_ENGRAMS, SPIKE_DIM), dtype=jnp.float32)).astype(jnp.float32)
    action_values = jnp.sign(jax.random.normal(k3, (MAX_ENGRAMS, SPIKE_DIM), dtype=jnp.float32)).astype(jnp.float32)
    is_active = jnp.ones((MAX_ENGRAMS,), dtype=bool)
    usage_counts = jnp.ones((MAX_ENGRAMS,), dtype=jnp.int32)
    program_counter = jnp.zeros((), dtype=jnp.int32)
    return {
        "sensor_spikes": sensor_spikes,
        "sensor_keys": sensor_keys,
        "action_values": action_values,
        "is_active": is_active,
        "usage_counts": usage_counts,
        "program_counter": program_counter,
    }


def reference(sensor_spikes, sensor_keys, action_values, is_active, usage_counts, program_counter):
    # retrieve_engram: associative lookup over the 64K program memory
    similarity = jnp.matmul(sensor_spikes.astype(jnp.float32), sensor_keys.T)  # [1, M]
    similarity = jnp.where(is_active[None, :], similarity, -jnp.inf)  # masked_fill_(~is_active, -inf)
    best_match_idx = jnp.argmax(similarity, axis=-1)  # [1]
    confidence = similarity[0, best_match_idx]  # [1]
    hit = confidence[0] > 0.95
    # conditional state updates (usage_counts[idx] += 1; program_counter <- idx) on confident hit
    new_usage_counts = jnp.where(hit, usage_counts.at[best_match_idx].add(1), usage_counts)
    new_program_counter = jnp.where(hit, best_match_idx[0].astype(program_counter.dtype), program_counter)
    action = action_values[best_match_idx]  # [1, SPIKE_DIM] gather from 64K RAM
    return action, confidence, best_match_idx, new_usage_counts, new_program_counter

if __name__ == "__main__":
    import jax
    _d = setup_inputs()
    print(jax.jit(kernel)(*tuple(_d.values())))

</pallas_src>

<mosaic_0001>
#map = affine_map<(d0, d1) -> (0)>
module attributes {stable_mosaic.version = 14 : i64} {
  func.func @_uccopy_body(%arg0: i32, %arg1: i32, %arg2: memref<65536xi32, #tpu.memory_space<hbm>>, %arg3: memref<65536xi32, #tpu.memory_space<hbm>>, %arg4: memref<2048xi32, #tpu.memory_space<vmem>>, %arg5: memref<!tpu.dma_semaphore, #tpu.memory_space<semaphore_mem>>) attributes {dimension_semantics = [#tpu.dimension_semantics<core_parallel>, #tpu.dimension_semantics<subcore_parallel>], iteration_bounds = array<i64: 2, 16>, scalar_prefetch = 0 : i64, scratch_operands = 2 : i64, tpu.core_type = #tpu.core_type<sc_vector_subcore>, window_params = [{transform_indices = #map}, {transform_indices = #map}]} {
    %mul3A = arith.constant 2 : i32
    %mul3A_0 = arith.muli %arg1, %mul3A : i32
    %add3A = arith.addi %mul3A_0, %arg0 : i32
    %mul3A_1 = arith.constant 2048 : i32
    %mul3A_2 = arith.muli %add3A, %mul3A_1 : i32
    %dma_start3A = tpu.memref_slice %arg2[%mul3A_2] : memref<65536xi32, #tpu.memory_space<hbm>> -> memref<2048xi32, #tpu.memory_space<hbm>>
    %dma_start3A_3 = tpu.memref_slice %arg2[%mul3A_2] : memref<65536xi32, #tpu.memory_space<hbm>> -> memref<2048xi32, #tpu.memory_space<hbm>>
    tpu.enqueue_dma source(%dma_start3A_3 : memref<2048xi32, #tpu.memory_space<hbm>>) target(%arg4 : memref<2048xi32, #tpu.memory_space<vmem>>) target_semaphore(%arg5 : memref<!tpu.dma_semaphore, #tpu.memory_space<semaphore_mem>>)
    %dma_wait3A = tpu.memref_slice %arg2[%mul3A_2] : memref<65536xi32, #tpu.memory_space<hbm>> -> memref<2048xi32, #tpu.memory_space<hbm>>
    %dma_wait3A_4 = tpu.memref_slice %arg2[%mul3A_2] : memref<65536xi32, #tpu.memory_space<hbm>> -> memref<2048xi32, #tpu.memory_space<hbm>>
    tpu.wait_dma2 semaphore(%arg5 : memref<!tpu.dma_semaphore, #tpu.memory_space<semaphore_mem>>) src(%dma_wait3A_4 : memref<2048xi32, #tpu.memory_space<hbm>>) dst(%arg4 : memref<2048xi32, #tpu.memory_space<vmem>>)
    "tpu.region"() ({
      %run_scoped3A = tpu.sem_alloc : memref<!tpu.dma_semaphore, #tpu.memory_space<semaphore_mem>>
      %dma_start3A_5 = tpu.memref_slice %arg3[%mul3A_2] : memref<65536xi32, #tpu.memory_space<hbm>> -> memref<2048xi32, #tpu.memory_space<hbm>>
      %dma_start3A_6 = tpu.memref_slice %arg3[%mul3A_2] : memref<65536xi32, #tpu.memory_space<hbm>> -> memref<2048xi32, #tpu.memory_space<hbm>>
      tpu.enqueue_dma source(%arg4 : memref<2048xi32, #tpu.memory_space<vmem>>) target(%dma_start3A_6 : memref<2048xi32, #tpu.memory_space<hbm>>) target_semaphore(%run_scoped3A : memref<!tpu.dma_semaphore, #tpu.memory_space<semaphore_mem>>)
      %dma_wait3A_7 = tpu.memref_slice %arg3[%mul3A_2] : memref<65536xi32, #tpu.memory_space<hbm>> -> memref<2048xi32, #tpu.memory_space<hbm>>
      %dma_wait3A_8 = tpu.memref_slice %arg3[%mul3A_2] : memref<65536xi32, #tpu.memory_space<hbm>> -> memref<2048xi32, #tpu.memory_space<hbm>>
      tpu.wait_dma2 semaphore(%run_scoped3A : memref<!tpu.dma_semaphore, #tpu.memory_space<semaphore_mem>>) src(%arg4 : memref<2048xi32, #tpu.memory_space<vmem>>) dst(%dma_wait3A_8 : memref<2048xi32, #tpu.memory_space<hbm>>)
      tpu.yield
    }) : () -> ()
    return
  }
}

module attributes {stable_mosaic.version = 14 : i64} {
  func.func @_mv_body(%arg0: i32, %arg1: memref<1x128xf32, #tpu.memory_space<vmem>>, %arg2: memref<8192x128xf32, #tpu.memory_space<vmem>>, %arg3: memref<1x8192xf32, #tpu.memory_space<vmem>>) attributes {dimension_semantics = [#tpu.dimension_semantics<arbitrary>], iteration_bounds = array<i64: 8>, scalar_prefetch = 0 : i64, scratch_operands = 0 : i64, tpu.core_type = #tpu.core_type<tc>, window_params = [{pipeline_mode = #tpu.pipeline_mode<synchronous>, transform_indices = @transform_0, window_bounds = array<i64: 1, 128>}, {transform_indices = @transform_1, window_bounds = array<i64: 8192, 128>}, {transform_indices = @transform_2, window_bounds = array<i64: 1, 8192>}]} {
    %get3A = arith.constant 0 : index
    %get3A_0 = arith.constant 0 : index
    %get3A_1 = vector.load %arg1[%get3A, %get3A_0] : memref<1x128xf32, #tpu.memory_space<vmem>>, vector<1x128xf32>
    %get3A_2 = arith.constant 0 : index
    %get3A_3 = arith.constant 0 : index
    %get3A_4 = vector.load %arg2[%get3A_2, %get3A_3] : memref<8192x128xf32, #tpu.memory_space<vmem>>, vector<8192x128xf32>
    %dot_general3A = arith.constant dense<0.000000e+00> : vector<1x8192xf32>
    %dot_general3A_5 = tpu.matmul %get3A_1, %get3A_4, %dot_general3A {dimension_numbers = #tpu.dot_dimension_numbers<[1], [1], [0], [0], [0, 0, 1, 0], [], []>, transpose_lhs_hint = false} : vector<1x128xf32>, vector<8192x128xf32>, vector<1x8192xf32> -> vector<1x8192xf32>
    %swap3A = arith.constant 0 : index
    %swap3A_6 = arith.constant 0 : index
    %swap3A_7 = vector.load %arg3[%swap3A, %swap3A_6] : memref<1x8192xf32, #tpu.memory_space<vmem>>, vector<1x8192xf32>
    tpu.vector_store %arg3[%swap3A, %swap3A_6], %dot_general3A_5 {strides = array<i32>} : memref<1x8192xf32, #tpu.memory_space<vmem>>, vector<1x8192xf32>,
    return
  }
  func.func @transform_0(%arg0: i32) -> (i32, i32) {
    %c0_i32 = arith.constant 0 : i32
    %c0_i32_0 = arith.constant 0 : i32
    %c0_i32_1 = arith.constant 0 : i32
    return %c0_i32, %c0_i32_0 : i32, i32
  }
  func.func @transform_1(%arg0: i32) -> (i32, i32) {
    %c0_i32 = arith.constant 0 : i32
    %c0_i32_0 = arith.constant 0 : i32
    return %arg0, %c0_i32 : i32, i32
  }
  func.func @transform_2(%arg0: i32) -> (i32, i32) {
    %c0_i32 = arith.constant 0 : i32
    %c0_i32_0 = arith.constant 0 : i32
    return %c0_i32, %arg0 : i32, i32
  }
}

module attributes {stable_mosaic.version = 14 : i64} {
  func.func @_amax_body(%arg0: memref<1x65536xf32, #tpu.memory_space<vmem>>, %arg1: memref<1x65536xi32, #tpu.memory_space<vmem>>, %arg2: memref<1x1xi32, #tpu.memory_space<vmem>>, %arg3: memref<1x128xf32, #tpu.memory_space<vmem>>, %arg4: memref<1x128xi32, #tpu.memory_space<vmem>>) attributes {dimension_semantics = [], scalar_prefetch = 0 : i64, scratch_operands = 0 : i64, tpu.core_type = #tpu.core_type<tc>} {
    %get3A = arith.constant 0 : index
    %get3A_0 = arith.constant 0 : index
    %get3A_1 = vector.load %arg1[%get3A, %get3A_0] : memref<1x65536xi32, #tpu.memory_space<vmem>>, vector<1x65536xi32>
    %get3A_2 = arith.constant dense<0> : vector<1x65536xi32>
    %get3A_3 = arith.cmpi ne, %get3A_1, %get3A_2 : vector<1x65536xi32>
    %get3A_4 = arith.constant 0 : index
    %get3A_5 = arith.constant 0 : index
    %get3A_6 = vector.load %arg0[%get3A_4, %get3A_5] : memref<1x65536xf32, #tpu.memory_space<vmem>>, vector<1x65536xf32>
    %jit3A = arith.constant 0xFF800000 : f32
    %broadcast_in_dim3A = vector.broadcast %jit3A : f32 to vector<1x65536xf32>
    %select_n3A = arith.select %get3A_3, %get3A_6, %broadcast_in_dim3A : vector<1x65536xi1>, vector<1x65536xf32>
    %reduce_max3A = vector.shape_cast %select_n3A : vector<1x65536xf32> to vector<1x1x65536xf32>
    %reduce_max3A_7 = arith.constant dense<0xFF800000> : vector<1xf32>
    %reduce_max3A_8 = vector.multi_reduction <maximumf>, %reduce_max3A, %reduce_max3A_7 [1, 2] : vector<1x1x65536xf32> to vector<1xf32>
    %reduce_max3A_9 = vector.shape_cast %reduce_max3A_8 : vector<1xf32> to vector<1x1x1xf32>
    %reduce_max3A_10 = vector.extract %reduce_max3A_9[0, 0, 0] : f32 from vector<1x1x1xf32>
    %iota3A = tpu.iota {dimensions = array<i32: 1>} : vector<1x65536xi32>
    %eq3A = vector.broadcast %reduce_max3A_10 : f32 to vector<1x65536xf32>
    %eq3A_11 = arith.cmpf oeq, %select_n3A, %eq3A : vector<1x65536xf32>
    %jit3A_12 = arith.constant 2147483647 : i32
    %broadcast_in_dim3A_13 = vector.broadcast %jit3A_12 : i32 to vector<1x65536xi32>
    %select_n3A_14 = arith.select %eq3A_11, %iota3A, %broadcast_in_dim3A_13 : vector<1x65536xi1>, vector<1x65536xi32>
    %reduce_min3A = vector.shape_cast %select_n3A_14 : vector<1x65536xi32> to vector<1x1x65536xi32>
    %reduce_min3A_15 = arith.constant dense<2147483647> : vector<1xi32>
    %reduce_min3A_16 = vector.multi_reduction <minsi>, %reduce_min3A, %reduce_min3A_15 [1, 2] : vector<1x1x65536xi32> to vector<1xi32>
    %reduce_min3A_17 = vector.shape_cast %reduce_min3A_16 : vector<1xi32> to vector<1x1x1xi32>
    %reduce_min3A_18 = vector.extract %reduce_min3A_17[0, 0, 0] : i32 from vector<1x1x1xi32>
    %gt3A = arith.constant 0.949999988 : f32
    %gt3A_19 = arith.cmpf ogt, %reduce_max3A_10, %gt3A : f32
    %convert_element_type3A = arith.extui %gt3A_19 : i1 to i32
    %gt3A_20 = arith.constant 0.949999988 : f32
    %gt3A_21 = arith.cmpf ogt, %reduce_max3A_10, %gt3A_20 : f32
    %get3A_22 = arith.constant 0 : index
    %get3A_23 = arith.constant 0 : index
    %get3A_24 = vector.load %arg2[%get3A_22, %get3A_23] : memref<1x1xi32, #tpu.memory_space<vmem>>, vector<1x1xi32>
    %get3A_25 = vector.extract %get3A_24[0, 0] : i32 from vector<1x1xi32>
    %select_n3A_26 = arith.select %gt3A_21, %reduce_min3A_18, %get3A_25 : i32
    %iota3A_27 = tpu.iota {dimensions = array<i32: 1>} : vector<1x128xi32>
    %broadcast_in_dim3A_28 = vector.broadcast %reduce_max3A_10 : f32 to vector<1x128xf32>
    %swap3A = arith.constant 0 : index
    %swap3A_29 = arith.constant 0 : index
    %swap3A_30 = vector.load %arg3[%swap3A, %swap3A_29] : memref<1x128xf32, #tpu.memory_space<vmem>>, vector<1x128xf32>
    tpu.vector_store %arg3[%swap3A, %swap3A_29], %broadcast_in_dim3A_28 {strides = array<i32>} : memref<1x128xf32, #tpu.memory_space<vmem>>, vector<1x128xf32>,
    %eq3A_31 = arith.constant 0 : i32
    %eq3A_32 = vector.broadcast %eq3A_31 : i32 to vector<1x128xi32>
    %eq3A_33 = arith.cmpi eq, %iota3A_27, %eq3A_32 : vector<1x128xi32>
    %eq3A_34 = arith.constant 1 : i32
    %eq3A_35 = vector.broadcast %eq3A_34 : i32 to vector<1x128xi32>
    %eq3A_36 = arith.cmpi eq, %iota3A_27, %eq3A_35 : vector<1x128xi32>
    %eq3A_37 = arith.constant 2 : i32
    %eq3A_38 = vector.broadcast %eq3A_37 : i32 to vector<1x128xi32>
    %eq3A_39 = arith.cmpi eq, %iota3A_27, %eq3A_38 : vector<1x128xi32>
    %jit3A_40 = arith.constant 0 : i32
    %broadcast_in_dim3A_41 = vector.broadcast %select_n3A_26 : i32 to vector<1x128xi32>
    %broadcast_in_dim3A_42 = vector.broadcast %jit3A_40 : i32 to vector<1x128xi32>
    %select_n3A_43 = arith.select %eq3A_39, %broadcast_in_dim3A_41, %broadcast_in_dim3A_42 : vector<1x128xi1>, vector<1x128xi32>
    %broadcast_in_dim3A_44 = vector.broadcast %convert_element_type3A : i32 to vector<1x128xi32>
    %select_n3A_45 = arith.select %eq3A_36, %broadcast_in_dim3A_44, %select_n3A_43 : vector<1x128xi1>, vector<1x128xi32>
    %broadcast_in_dim3A_46 = vector.broadcast %reduce_min3A_18 : i32 to vector<1x128xi32>
    %select_n3A_47 = arith.select %eq3A_33, %broadcast_in_dim3A_46, %select_n3A_45 : vector<1x128xi1>, vector<1x128xi32>
    %swap3A_48 = arith.constant 0 : index
    %swap3A_49 = arith.constant 0 : index
    %swap3A_50 = vector.load %arg4[%swap3A_48, %swap3A_49] : memref<1x128xi32, #tpu.memory_space<vmem>>, vector<1x128xi32>
    tpu.vector_store %arg4[%swap3A_48, %swap3A_49], %select_n3A_47 {strides = array<i32>} : memref<1x128xi32, #tpu.memory_space<vmem>>, vector<1x128xi32>,
    return
  }
}

module attributes {stable_mosaic.version = 14 : i64} {
  func.func @_touch_body(%arg0: i32, %arg1: memref<2xi32, #tpu.memory_space<smem>>, %arg2: memref<1x1x32768xi32, #tpu.memory_space<vmem>>, %arg3: memref<8x128xf32, #tpu.memory_space<vmem>>, %arg4: memref<1x1x32768xi32, #tpu.memory_space<vmem>>, %arg5: memref<1x128xf32, #tpu.memory_space<vmem>>) attributes {dimension_semantics = [#tpu.dimension_semantics<arbitrary>], iteration_bounds = array<i64: 2>, scalar_prefetch = 1 : i64, scratch_operands = 0 : i64, tpu.core_type = #tpu.core_type<tc>, window_params = [{transform_indices = @transform_0, window_bounds = array<i64: 1, 1, 32768>}, {transform_indices = @transform_1, window_bounds = array<i64: 8, 128>}, {transform_indices = @transform_2, window_bounds = array<i64: 1, 1, 32768>}, {pipeline_mode = #tpu.pipeline_mode<synchronous>, transform_indices = @transform_3, window_bounds = array<i64: 1, 128>}]} {
    %get3A = arith.constant 0 : index
    %get3A_0 = memref.load %arg1[%get3A] : memref<2xi32, #tpu.memory_space<smem>>
    %get3A_1 = arith.constant 1 : index
    %get3A_2 = memref.load %arg1[%get3A_1] : memref<2xi32, #tpu.memory_space<smem>>
    %iota3A = tpu.iota {dimensions = array<i32: 2>} : vector<1x1x32768xi32>
    %mul3A = arith.constant 32768 : i32
    %mul3A_3 = arith.muli %arg0, %mul3A : i32
    %add3A = vector.broadcast %mul3A_3 : i32 to vector<1x1x32768xi32>
    %add3A_4 = arith.addi %iota3A, %add3A : vector<1x1x32768xi32>
    %get3A_5 = arith.constant 0 : index
    %get3A_6 = arith.constant 0 : index
    %get3A_7 = arith.constant 0 : index
    %get3A_8 = vector.load %arg2[%get3A_5, %get3A_6, %get3A_7] : memref<1x1x32768xi32, #tpu.memory_space<vmem>>, vector<1x1x32768xi32>
    %eq3A = vector.broadcast %get3A_0 : i32 to vector<1x1x32768xi32>
    %eq3A_9 = arith.cmpi eq, %add3A_4, %eq3A : vector<1x1x32768xi32>
    %gt3A = arith.constant 0 : i32
    %gt3A_10 = arith.cmpi sgt, %get3A_2, %gt3A : i32
    %and3A = vector.broadcast %gt3A_10 : i1 to vector<1x1x32768xi1>
    %and3A_11 = arith.andi %eq3A_9, %and3A : vector<1x1x32768xi1>
    %convert_element_type3A = arith.extui %and3A_11 : vector<1x1x32768xi1> to vector<1x1x32768xi32>
    %add3A_12 = arith.addi %get3A_8, %convert_element_type3A : vector<1x1x32768xi32>
    %swap3A = arith.constant 0 : index
    %swap3A_13 = arith.constant 0 : index
    %swap3A_14 = arith.constant 0 : index
    %swap3A_15 = vector.load %arg4[%swap3A, %swap3A_13, %swap3A_14] : memref<1x1x32768xi32, #tpu.memory_space<vmem>>, vector<1x1x32768xi32>
    tpu.vector_store %arg4[%swap3A, %swap3A_13, %swap3A_14], %add3A_12 {strides = array<i32>} : memref<1x1x32768xi32, #tpu.memory_space<vmem>>, vector<1x1x32768xi32>,
    %iota3A_16 = tpu.iota {dimensions = array<i32: 0>} : vector<8x128xi32>
    %jit3A = arith.constant 8 : i32
    %eq3A_17 = arith.constant 0 : i32
    %eq3A_18 = arith.cmpi eq, %jit3A, %eq3A_17 : i32
    %jit3A_19 = arith.constant 1 : i32
    %select_n3A = arith.select %eq3A_18, %jit3A_19, %jit3A : i32
    %rem3A = arith.remsi %get3A_0, %select_n3A : i32
    %ne3A = arith.constant 0 : i32
    %ne3A_20 = arith.cmpi ne, %rem3A, %ne3A : i32
    %lt3A = arith.constant 0 : i32
    %lt3A_21 = arith.cmpi slt, %rem3A, %lt3A : i32
    %lt3A_22 = arith.constant 0 : i32
    %lt3A_23 = arith.cmpi slt, %select_n3A, %lt3A_22 : i32
    %ne3A_24 = arith.xori %lt3A_21, %lt3A_23 : i1
    %and3A_25 = arith.andi %ne3A_24, %ne3A_20 : i1
    %add3A_26 = arith.addi %rem3A, %select_n3A : i32
    %select_n3A_27 = arith.select %and3A_25, %add3A_26, %rem3A : i32
    %eq3A_28 = vector.broadcast %select_n3A_27 : i32 to vector<8x128xi32>
    %eq3A_29 = arith.cmpi eq, %iota3A_16, %eq3A_28 : vector<8x128xi32>
    %get3A_30 = arith.constant 0 : index
    %get3A_31 = arith.constant 0 : index
    %get3A_32 = vector.load %arg3[%get3A_30, %get3A_31] : memref<8x128xf32, #tpu.memory_space<vmem>>, vector<8x128xf32>
    %jit3A_33 = arith.constant 0.000000e+00 : f32
    %broadcast_in_dim3A = vector.broadcast %jit3A_33 : f32 to vector<8x128xf32>
    %select_n3A_34 = arith.select %eq3A_29, %get3A_32, %broadcast_in_dim3A : vector<8x128xi1>, vector<8x128xf32>
    %reduce_sum3A = arith.constant dense<0.000000e+00> : vector<128xf32>
    %reduce_sum3A_35 = vector.multi_reduction <add>, %select_n3A_34, %reduce_sum3A [0] : vector<8x128xf32> to vector<128xf32>
    %broadcast_in_dim3A_36 = vector.shape_cast %reduce_sum3A_35 : vector<128xf32> to vector<1x128xf32>
    %swap3A_37 = arith.constant 0 : index
    %swap3A_38 = arith.constant 0 : index
    %swap3A_39 = vector.load %arg5[%swap3A_37, %swap3A_38] : memref<1x128xf32, #tpu.memory_space<vmem>>, vector<1x128xf32>
    tpu.vector_store %arg5[%swap3A_37, %swap3A_38], %broadcast_in_dim3A_36 {strides = array<i32>} : memref<1x128xf32, #tpu.memory_space<vmem>>, vector<1x128xf32>,
    return
  }
  func.func @transform_0(%arg0: i32, %arg1: memref<2xi32, #tpu.memory_space<smem>>) -> (i32, i32, i32) {
    %c0_i32 = arith.constant 0 : i32
    %c0_i32_0 = arith.constant 0 : i32
    %c0_i32_1 = arith.constant 0 : i32
    return %arg0, %c0_i32, %c0_i32_0 : i32, i32, i32
  }
  func.func @transform_1(%arg0: i32, %arg1: memref<2xi32, #tpu.memory_space<smem>>) -> (i32, i32) {
    %get3A = arith.constant 0 : index
    %get3A_0 = memref.load %arg1[%get3A] : memref<2xi32, #tpu.memory_space<smem>>
    %jit3A = arith.constant 8 : i32
    %div3A = arith.divsi %get3A_0, %jit3A : i32
    %sign3A = arith.constant 0 : i32
    %sign3A_1 = arith.cmpi sgt, %get3A_0, %sign3A : i32
    %sign3A_2 = arith.extui %sign3A_1 : i1 to i32
    %sign3A_3 = arith.constant 0 : i32
    %sign3A_4 = arith.cmpi slt, %get3A_0, %sign3A_3 : i32
    %sign3A_5 = arith.extui %sign3A_4 : i1 to i32
    %sign3A_6 = arith.subi %sign3A_2, %sign3A_5 : i32
    %sign3A_7 = arith.constant 0 : i32
    %sign3A_8 = arith.cmpi sgt, %jit3A, %sign3A_7 : i32
    %sign3A_9 = arith.extui %sign3A_8 : i1 to i32
    %sign3A_10 = arith.constant 0 : i32
    %sign3A_11 = arith.cmpi slt, %jit3A, %sign3A_10 : i32
    %sign3A_12 = arith.extui %sign3A_11 : i1 to i32
    %sign3A_13 = arith.subi %sign3A_9, %sign3A_12 : i32
    %ne3A = arith.cmpi ne, %sign3A_6, %sign3A_13 : i32
    %rem3A = arith.remsi %get3A_0, %jit3A : i32
    %ne3A_14 = arith.constant 0 : i32
    %ne3A_15 = arith.cmpi ne, %rem3A, %ne3A_14 : i32
    %and3A = arith.andi %ne3A, %ne3A_15 : i1
    %sub3A = arith.constant 1 : i32
    %sub3A_16 = arith.subi %div3A, %sub3A : i32
    %select_n3A = arith.select %and3A, %sub3A_16, %div3A : i32
    %c0_i32 = arith.constant 0 : i32
    %c0_i32_17 = arith.constant 0 : i32
    return %select_n3A, %c0_i32 : i32, i32
  }
  func.func @transform_2(%arg0: i32, %arg1: memref<2xi32, #tpu.memory_space<smem>>) -> (i32, i32, i32) {
    %c0_i32 = arith.constant 0 : i32
    %c0_i32_0 = arith.constant 0 : i32
    %c0_i32_1 = arith.constant 0 : i32
    return %arg0, %c0_i32, %c0_i32_0 : i32, i32, i32
  }
  func.func @transform_3(%arg0: i32, %arg1: memref<2xi32, #tpu.memory_space<smem>>) -> (i32, i32) {
    %c0_i32 = arith.constant 0 : i32
    %c0_i32_0 = arith.constant 0 : i32
    %c0_i32_1 = arith.constant 0 : i32
    return %c0_i32, %c0_i32_0 : i32, i32
  }
}

</mosaic_0001>

<sc_bundles>
// kernel: kernel.6.cloned.1.call-start
scs
__scs_entry_jumppad:
0x0: {  	(pc) =	sbr.rel $0x88, $3  }
0x1: {  	(tag) =	ssettag $0x0;
	lr =	simm.s32 $0x1  }
0x2: {  	[smem:$0x3F9B] =	sst lr;
	_ =	strace $0xD0000000  }
0x3: {  	_ = 	snop  }
0x4: {  	_ = 	snop  }
0x5: {  	_ = 	snop  }
0x6: {  	_ = 	snop  }
0x7: {  	_ = 	snop  }
__scs_overlays_trampoline_lowered:
0x8: {  	[smem:$0x3FAA] =	sst s0  }
0x9: {  	[smem:$0x3FAB] =	sst s1  }
0xa: {  	[smem:$0x3FAC] =	sst s2  }
0xb: {  	[smem:$0x3FAD] =	sst s3  }
0xc: {  	[smem:$0x3FAE] =	sst s4  }
0xd: {  	[smem:$0x3FAF] =	sst s5  }
0xe: {  	[smem:$0x3FB0] =	sst s6  }
0xf: {  	[smem:$0x3FB1] =	sst s7  }
0x10: {  	[smem:$0x3FB2] =	sst s8  }
0x11: {  	[smem:$0x3FB3] =	sst s9;
	s0 =	simm.s32 @!p0 $0x0  }
0x12: {  	s1 =	sld [smem:$0x3F99];
	s0 =	simm.s32 @p0 $0x1  }
0x13: {  	[smem:$0x3FB4] =	sst s0;
	s0 =	simm.s32 @!p1 $0x0  }
0x14: {  	s2 =	sld [smem:$0x3F98];
	s0 =	simm.s32 @p1 $0x1  }
0x15: {  	[smem:$0x3FB5] =	sst s0;
	s0 =	simm.s32 @!p2 $0x0  }
0x16: {  	s3 =	sld [smem:$0x3FDB];
	s0 =	simm.s32 @p2 $0x1  }
0x17: {  	s4 =	simm.s32 $0x1BF5;
	[smem:$0x3FB7] =	sst s0  }
0x18: {  	s0 =	sld [smem:$0x3F9A];
	_ =	swait.ge [sflag:s4], $0x0  }
0x19: {  	s7 =	sld [smem:$0x3F9B]  }
0x1a: {  	s8 =	sadd.s32 $0xFFFFE003, lr  }
0x1b: {  	s9 =	sadd.s32 $0xFFFFFEF7, lr;
	s5 =	simm.s32 $0xFFFFFFFF;
	p2 =	slt.u32 s8, $0xFFFFF086  }
0x1c: {  	p1 =	slt.u32 s9, $0xF7A;
	s5 =	simm.s32 @!p2 $0x0  }
0x1d: {  	s5 =	simm.s32 @p1 $0x1;
	p0 =	seq.s32 s7, s2  }
0x1e: {  	s7 =	smul.u32 @!p0 $0xF7A, s2;
	p2 =	seq.s32 @!p0 s5, $0x0  }
0x1f: {  	s9 =	smul.u32 $0xF7A, s1;
	s8 =	simm.s32 @!p0 $0x1BF5;
	p2 =	por !p2, p0  }
0x20: {  	[sflag:s8] =	ssyncset.s32 @!p0 $0xFFFFF086;
	s6 =	sadd.s32 @!p0 s3, s7;
	s7 =	simm.s32 @!p0 $0x108  }
0x21: {  	s3 =	sadd.s32 s3, s9;
	s6 =	sadd.s32 @!p0 $0x88, s6;
	s7 =	simm.s32 @p2 $0x1082  }
0x22: {  	[simem:s7], [sflag:s8] =	dma.local @!p0 [hbm:s6], $0xF7A  }
0x23: {  	s9 =	sor.u32 $0xD0000000, s2;
	s6 =	simm.s32 $0x108;
	_ =	swait.ge @!p0 [sflag:s8], $0x0  }
0x24: {  	s3 =	sadd.s32 $0x88, s3;
	s6 =	simm.s32 @!p1 $0x1082;
	[sflag:s4] =	ssyncset.s32 $0xFFFFF086  }
0x25: {  	[simem:s6], [sflag:s4] =	dma.local [hbm:s3], $0xF7A  }
0x26: {  	[smem:$0x3F9B] =	sst s1;
	(tag) =	ssettag s2;
	_ =	strace s9  }
0x27: {  	s1 =	sld [smem:$0x3FAB]  }
0x28: {  	s2 =	sld [smem:$0x3FAC]  }
0x29: {  	s4 =	sld [smem:$0x3FAE]  }
0x2a: {  	p0 =	seq.s32 s5, $0x0;
	s5 =	sld [smem:$0x3FAF]  }
0x2b: {  	s6 =	sld [smem:$0x3FB0]  }
0x2c: {  	s7 =	sld [smem:$0x3FB1]  }
0x2d: {  	s3 =	simm.s32 $0x108;
	s8 =	sld [smem:$0x3FB2]  }
0x2e: {  	s3 =	simm.s32 @!p0 $0x1082;
	s9 =	sld [smem:$0x3FB3]  }
0x2f: {  	lr =	sadd.s32 s0, s3;
	s0 =	sld [smem:$0x3FAA]  }
0x30: {  	s3 =	sld [smem:$0x3FAD]  }
0x31: {  	[smem:$0x3FB6] =	sst s10  }
0x32: {  	s10 =	sld [smem:$0x3FB4];
	_ =	sdelay $0x3  }
0x33: {  	p0 =	seq.s32 s10, $0x1;
	s10 =	sld [smem:$0x3FB6];
	_ =	sdelay $0x3  }
0x34: {  	[smem:$0x3FB6] =	sst s10  }
0x35: {  	s10 =	sld [smem:$0x3FB5];
	_ =	sdelay $0x3  }
0x36: {  	p1 =	seq.s32 s10, $0x1;
	s10 =	sld [smem:$0x3FB6];
	_ =	sdelay $0x3  }
0x37: {  	[smem:$0x3FB6] =	sst s10  }
0x38: {  	s10 =	sld [smem:$0x3FB7]  }
0x39: {  	_ = 	snop;
	(pc) =	sbr.ind lr, $3  }
0x3a: {  	_ = 	snop  }
0x3b: {  	_ = 	snop  }
0x3c: {  	p2 =	seq.s32 s10, $0x1;
	s10 =	sld [smem:$0x3FB6]  }
0x3d: {  	_ =	shalt  }
0x3e: {  	_ =	shalt  }
0x3f: {  	_ =	shalt  }
0x40: {  	_ =	shalt  }
0x41: {  	_ =	shalt  }
0x42: {  	_ =	shalt  }
0x43: {  	_ =	shalt  }
0x44: {  	_ =	shalt  }
0x45: {  	_ =	shalt  }
0x46: {  	_ =	shalt  }
0x47: {  	_ =	shalt  }
0x48: {  	_ =	shalt  }
0x49: {  	_ =	shalt  }
0x4a: {  	_ =	shalt  }
0x4b: {  	_ =	shalt  }
0x4c: {  	_ =	shalt  }
0x4d: {  	_ =	shalt  }
0x4e: {  	_ =	shalt  }
0x4f: {  	_ =	shalt  }
0x50: {  	_ =	shalt  }
0x51: {  	_ =	shalt  }
0x52: {  	_ =	shalt  }
0x53: {  	_ =	shalt  }
0x54: {  	_ =	shalt  }
0x55: {  	_ =	shalt  }
0x56: {  	_ =	shalt  }
0x57: {  	_ =	shalt  }
0x58: {  	_ =	shalt  }
0x59: {  	_ =	shalt  }
0x5a: {  	_ =	shalt  }
0x5b: {  	_ =	shalt  }
0x5c: {  	_ =	shalt  }
0x5d: {  	_ =	shalt  }
0x5e: {  	_ =	shalt  }
0x5f: {  	_ =	shalt  }
0x60: {  	_ =	shalt  }
0x61: {  	_ =	shalt  }
0x62: {  	_ =	shalt  }
0x63: {  	_ =	shalt  }
0x64: {  	_ =	shalt  }
0x65: {  	_ =	shalt  }
0x66: {  	_ =	shalt  }
0x67: {  	_ =	shalt  }
0x68: {  	_ =	shalt  }
0x69: {  	_ =	shalt  }
0x6a: {  	_ =	shalt  }
0x6b: {  	_ =	shalt  }
0x6c: {  	_ =	shalt  }
0x6d: {  	_ =	shalt  }
0x6e: {  	_ =	shalt  }
0x6f: {  	_ =	shalt  }
0x70: {  	_ =	shalt  }
0x71: {  	_ =	shalt  }
0x72: {  	_ =	shalt  }
0x73: {  	_ =	shalt  }
0x74: {  	_ =	shalt  }
0x75: {  	_ =	shalt  }
0x76: {  	_ =	shalt  }
0x77: {  	_ =	shalt  }
0x78: {  	_ =	shalt  }
0x79: {  	_ =	shalt  }
0x7a: {  	_ =	shalt  }
0x7b: {  	_ =	shalt  }
0x7c: {  	_ =	shalt  }
0x7d: {  	_ =	shalt  }
0x7e: {  	_ =	shalt  }
0x7f: {  	_ =	shalt  }
0x80: {  	_ =	shalt  }
0x81: {  	_ =	shalt  }
0x82: {  	_ =	shalt  }
0x83: {  	_ =	shalt  }
0x84: {  	_ =	shalt  }
0x85: {  	_ =	shalt  }
0x86: {  	_ =	shalt  }
0x87: {  	_ =	shalt  }
.Lfunc_end0:
.L_simem_size_0:
called_computation_lowered:
.L_overlay_start_0:
0x88: {  	s2 =	sld [smem:$0x3FD9]  }
0x89: {  	s3 =	sld [smem:$0x3FFE];
	_ =	sdelay $0x1  }
0x8a: {  	s1 =	srdreg.scid  }
0x8b: {  	s0 =	sand.u32 $0x1, s1  }
0x8c: {  	s15 =	sshll.u32 s0, $0xA;
	s2 =	sadd.s32 s3, s2  }
0x8d: {  	s2 =	sadd.s32 s2, s15  }
0x8e: {  	[smem:$0x3FC2] =	sst s2  }
0x8f: {  	_ = 	snop  }
0x90: {  	s2 =	sld [smem:$0x3FD0];
	_ =	sdelay $0x2  }
0x91: {  	s4 =	simm.s32 $0xA;
	s5 =	simm.s32 $0x10;
	s16 =	sld [smem:$0x3FC5]  }
0x92: {  	[smem:s5], [sflag:s4] =	dma.local [hbm:s2], $0x1  }
0x93: {  	_ =	swait.eq [sflag:s4], $0x1  }
0x94: {  	[sflag:s4] =	ssyncset.done $0x0  }
0x95: {  	[sflag:s4] =	ssyncadd.s32 $0xFFFFFFFF  }
0x96: {  	s17 =	sld [smem:$0x13];
	(tm) =	ssettm $0x1  }
0x97: {  	s18 =	sld [smem:$0x3FFB];
	_ =	sdelay $0x3  }
0x98: {  	_ =	strace s18  }
0x99: {  	s4 =	sld [smem:$0x3FFC];
	_ =	sdelay $0x3  }
0x9a: {  	_ =	strace s4  }
0x9b: {  	s4 =	sld [smem:$0x3FFD];
	_ =	sdelay $0x3  }
0x9c: {  	_ =	strace s4  }
0x9d: {  	_ =	strace $0x8FFFFFFF  }
0x9e: {  	s19 =	sld [smem:$0x3FDB];
	_ =	sdelay $0x1  }
0x9f: {  	s20 =	simm.s32 $_scs_section_size  }
0xa0: {  	s6 =	simm.s32 $_size__tile_overlayer_lowered;
	s7 =	simm.s32 $_tile_overlayer_lowered  }
0xa1: {  	s23 =	simm.s32 $0x1BFF;
	s22 =	sshll.u32 s7, $0x1;
	s4 =	sadd.s32 s20, s19  }
0xa2: {  	s8 =	simm.s32 $0x0;
	s21 =	sshll.u32 s6, $0x1;
	s6 =	sadd.s32 s22, s4  }
0xa3: {  	[timem:s8], [sflag:s23] =	dma.local [hbm:s6], s21  }
0xa4: {  	_ =	swait.ge [sflag:s23], s21  }
0xa5: {  	s5 =	ssub.s32 $0x0, s21;
	[sflag:s23] =	ssyncset.done $0x0  }
0xa6: {  	[sflag:s23] =	ssyncadd.s32 s5;
	_ =	sdelay $0x1  }
0xa7: {  	s24 =	simm.s32 $0x1B8B  }
0xa8: {  	_ =	swait.ge [sflag:s24], $0x1  }
0xa9: {  	[sflag:s24] =	ssyncset.done $0x0  }
0xaa: {  	s25 =	simm.s32 $0x1B8E;
	[sflag:s24] =	ssyncadd.s32 $0xFFFFFFFF  }
0xab: {  	s26 =	simm.s32 $execute0_lowered;
	[smem:$0x3FD2] =	sst s25  }
0xac: {  	s5 =	sshll.u32 s26, $0x1;
	_ =	strace $0x80000046;
	[dreg:$0x1] =	wrdreg $0xFFFFFFFF  }
0xad: {  	s28 =	simm.s32 $_size_execute0_lowered;
	s4 =	sadd.s32 s4, s5;
	[dreg:$0x0] =	wrdreg $0x0  }
0xae: {  	s5 =	sshll.u32 s28, $0x1;
	[dreg:$0x2] =	wrdreg s4  }
0xaf: {  	[dreg:$0x3] =	wrdreg s5  }
0xb0: {  	[dreg:$0x4] =	wrdreg $0xC0  }
0xb1: {  	_ =	task [dreg:s8], $0x5FFFF  }
0xb2: {  	[dreg:$0x1] =	wrdreg $0xFFFFFFFF  }
0xb3: {  	[dreg:$0x0] =	wrdreg $0x60  }
0xb4: {  	[dreg:$0x2] =	wrdreg s16  }
0xb5: {  	[dreg:$0x3] =	wrdreg s17  }
0xb6: {  	[dreg:$0x4] =	wrdreg $0x9  }
0xb7: {  	_ =	task.clear_ibuf [dreg:s8], $0x5FFFF;
	_ =	strace $0x90000046  }
0xb8: {  	s29 =	simm.s32 $0x9;
	_ =	strace $0x80000048  }
0xb9: {  	_ =	swait.ge [sflag:s29], $0x1  }
0xba: {  	[sflag:s29] =	ssyncadd.s32 $0xFFFFFFFF  }
0xbb: {  	_ =	strace $0x90000048  }
0xbc: {  	_ =	sfence  }
0xbd: {  	s30 =	sld [smem:$0x0];
	_ =	sdelay $0x2  }
0xbe: {  	s31 =	sshll.u32 s1, $0xD;
	s1 =	sshrl.u32 s1, $0x2  }
0xbf: {  	s3 =	sand.u32 $0x4000, s31;
	s1 =	sadd.s32 s1, s30  }
0xc0: {  	s0 =	sor.u32 s3, s0;
	s1 =	sshll.u32 s1, $0x11  }
0xc1: {  	s0 =	sor.u32 s1, s0  }
0xc2: {  	s0 =	sadd.s32 $0x8F2B, s0  }
0xc3: {  	[sflag:s0] =	ssyncadd.remote.s32 $0x1  }
0xc4: {  	_ =	sfence.sel $0xFFFF  }
0xc5: {  	[dreg:$0x0] =	wrdreg $0xFFFFFFFF;
	(pc) =	sbr.abs _section_cstart, $3  }
0xc6: {  	[dreg:$0x1] =	wrdreg $0xFFFFFFFF  }
0xc7: {  	_ =	task.clear_ibuf [dreg:s8], $0x2FFFF;
	_ =	strace $0x9FFFFFFF  }
0xc8: {  	(tm) =	ssettm $0x7FFFFFFF  }
0xc9: {  	_ =	shalt  }
tec
execute0_lowered:
.L_overlay_start_1:
0x0: {  	(tag) =	ssettag $0x1  }
0x1: {  	s3 =	rddreg [dreg:$0x0]  }
0x2: {  	s5 =	rddreg [dreg:$0x1]  }
0x3: {  	s0 =	rddreg [dreg:$0x2];
	s4 =	srdreg.scid  }
0x4: {  	s2 =	simm.s32 $0x0;
	s1 =	stileid.u32;
	s4 =	sand.u32 $0x1, s4  }
0x5: {  	s6 =	sshll.u32 s1, $0x9;
	s7 =	sshll.u32 s4, $0x8;
	s31 =	ssub.s32 $0x2, s4  }
0x6: {  	[smem:$0x7FF] =	sst s2;
	s6 =	sor.u32 s7, s6;
	s8 =	sshrl.u32 s31, $0x1  }
0x7: {  	_ =	strace $0x80000047;
	s3 =	sadd.s32 s3, s6;
	s7 =	ssub.s32 s31, s8  }
0x8: {  	[tilespmem:s2], [sflag:$0x1] =	stream.linear.gather [hbm4b:s3+s2], $0x800, $0x38;
	[tilespmem:$0x800] =	vst v63  }
0x9: {  	s4 =	simm.s32 $0x1;
	s7 =	smax.u32 s7, $0x1  }
0xa: {  	_ =	swait.ge [sflag:s4], $0x800;
	p0 =	sne.s32 s7, $0x1  }
.Ltmp0:
0xb: {  	[sflag:s4] =	ssyncset.done $0x0;
	(pc) =	sbr.rel @!p0 .LBB2_2-.Ltmp0, $4  }
0xc: {  	s5 =	sadd.s32 s5, s6;
	s6 =	simm.s32 $0x2;
	[sflag:s4] =	ssyncadd.s32 $0xFFFFF800  }
0xd: {  	[hbm4b:s5+s2] =	stream.linear.scatter [tilespmem:s2], [sflag:$0x2], $0x800, $0x38;
	[tilespmem:$0x800] =	vst v63  }
0xe: {  	_ =	swait.ge [sflag:s6], $0x800  }
0xf: {  	s7 =	sadd.s32 $0xFFFFFFFF, s7;
	[sflag:s6] =	ssyncset.done $0x0  }
.LBB2_1:
0x10: {  	p0 =	sne.s32 s7, $0x1;
	s7 =	sadd.s32 $0xFFFFFFFF, s7;
	[sflag:s6] =	ssyncadd.s32 $0xFFFFF800  }
0x11: {  	[tilespmem:s2], [sflag:$0x1] =	stream.linear.gather [hbm4b:s3+s2], $0x800, $0x38;
	[tilespmem:$0x800] =	vst v63  }
0x12: {  	_ =	swait.ge [sflag:s4], $0x800  }
.Ltmp1:
0x13: {  	[sflag:s4] =	ssyncset.done $0x0;
	(pc) =	sbr.rel @p0 .LBB2_1-.Ltmp1, $4  }
0x14: {  	[sflag:s4] =	ssyncadd.s32 $0xFFFFF800  }
0x15: {  	[hbm4b:s5+s2] =	stream.linear.scatter [tilespmem:s2], [sflag:$0x2], $0x800, $0x38;
	[tilespmem:$0x800] =	vst v63  }
0x16: {  	_ =	swait.ge [sflag:s6], $0x800  }
0x17: {  	[sflag:s6] =	ssyncset.done $0x0  }
.LBB2_2:
0x18: {  	[sflag:s6] =	ssyncadd.s32 $0xFFFFF800  }
0x19: {  	_ =	sfence.sel $0x180000  }
0x1a: {  	[bflag:$0x0] =	sbarrier.arrive $0xFFFF  }
0x1b: {  	p0 =	sne.s32 s1, $0x0;
	_ =	strace $0x90000047  }
0x1c: {  	s0 =	sadd.s32 @!p0 $0x100000, s0;
	[bflag:$0x2] =	sbarrier.arrive $0xFFFF  }
0x1d: {  	[sflag:s0] =	ssyncadd.tile.s32 @!p0 $0x1;
	_ =	shalt  }
.Lfunc_end2:
_tile_overlayer_lowered:
.L_overlay_start_2:
0x1e: {  	(tag) =	ssettag $0x2  }
0x1f: {  	s0 =	rddreg [dreg:$0x0];
	s2 =	stileid.u32  }
0x20: {  	s1 =	rddreg [dreg:$0x1];
	p0 =	sne.s32 s2, $0x0  }
0x21: {  	s3 =	rddreg [dreg:$0x2];
	[bflag:$0x3] =	sbarrier.arrive $0xFFFF;
	s2 =	simm.s32 @!p0 $0x1C02  }
0x22: {  	[timem:s3], [sflag:s2] =	dma.local @!p0 [hbm:s0], s1  }
0x23: {  	s0 =	simm.s32 @!p0 $0x2  }
0x24: {  	_ =	swait.ge @!p0 [sflag:s0], s1  }
0x25: {  	s1 =	ssub.s32 @!p0 $0x0, s1;
	[sflag:s0] =	ssyncset.done @!p0 $0x0  }
0x26: {  	[sflag:s0] =	ssyncadd.s32 @!p0 s1  }
0x27: {  	[bflag:$0x3] =	sbarrier.arrive $0xFFFF  }
0x28: {  	_ =	shalt  }

</sc_bundles>
